<compile_context>
chip_gen: v7x
topology: tpu7x:2x2x1
jax: 0.10.2.dev20260603
libtpu: 0.0.44.dev20260713+nightly
codegen_flags: <defaults>
</compile_context>

<pallas_src>
import functools

import numpy as np
import jax
import jax.numpy as jnp
from jax.experimental import pallas as pl
from jax.experimental.pallas import tpu as pltpu

NUMANGLE = 180
NUMRHO = 184
R_PAD = 192
OUT_H = 128
OUT_W = 128
P = OUT_H * OUT_W

P_TILE = 2048
A_BLK = 4
K = A_BLK * R_PAD


def _rho_index_table(H, W, numangle, numrho):
    irho = float(int(np.sqrt(H * H + W * W) + 1)) / float(numrho - 1)
    angles = np.arange(numangle).astype(np.float64) * (np.pi / numangle)
    cosi = np.cos(angles) / irho
    sini = np.sin(angles) / irho
    xs = (np.arange(W) - W // 2).astype(np.float64)
    ys = (np.arange(H) - H // 2).astype(np.float64)
    r = np.round(
        cosi[:, None, None] * xs[None, None, :] + sini[:, None, None] * ys[None, :, None]
    ).astype(np.int32) + numrho // 2
    invalid = (r < 0) | (r >= numrho)
    r[invalid] = numrho
    r = r.reshape(numangle, H * W)
    r += (np.arange(numangle)[:, None] % A_BLK) * R_PAD
    return r.reshape(numangle // A_BLK, A_BLK, H * W)


def _idht_block(ridx_ref, acc_ref, out_ref):
    a = pl.program_id(1)
    iota = jax.lax.broadcasted_iota(jnp.int32, (K, P_TILE), 0)
    match = iota == ridx_ref[0, 0, :][None, :]
    for j in range(1, A_BLK):
        match = match | (iota == ridx_ref[0, j, :][None, :])
    onehot = match.astype(jnp.bfloat16)
    d = jnp.dot(acc_ref[0], onehot, preferred_element_type=jnp.float32)

    @pl.when(a == 0)
    def _init():
        out_ref[...] = d

    @pl.when(a > 0)
    def _accum():
        out_ref[...] += d


@functools.partial(jax.jit, static_argnames=("interpret",))
def kernel(accumulator, interpret=False):
    n, c, a_dim, r_dim = accumulator.shape
    nc = n * c
    a_grid = a_dim // A_BLK
    ridx = jnp.asarray(_rho_index_table(OUT_H, OUT_W, NUMANGLE, NUMRHO))
    acc_p = jnp.pad(
        accumulator.reshape(nc, a_dim, r_dim), ((0, 0), (0, 0), (0, R_PAD - r_dim))
    )
    acc_g = (
        acc_p.reshape(nc, a_grid, A_BLK * R_PAD)
        .transpose(1, 0, 2)
        .astype(jnp.bfloat16)
    )

    out = pl.pallas_call(
        _idht_block,
        grid=(P // P_TILE, a_grid),
        in_specs=[
            pl.BlockSpec((1, A_BLK, P_TILE), lambda p, a: (a, 0, p)),
            pl.BlockSpec((1, nc, K), lambda p, a: (a, 0, 0)),
        ],
        out_specs=pl.BlockSpec((nc, P_TILE), lambda p, a: (0, p)),
        out_shape=jax.ShapeDtypeStruct((nc, P), jnp.float32),
        compiler_params=pltpu.CompilerParams(
            dimension_semantics=("parallel", "arbitrary"),
        ),
        interpret=interpret,
    )(ridx, acc_g)

    return out.reshape(n, c, OUT_H, OUT_W)

# --- scband reference (transcript-rebuilt; emitter-appended) ---
"""Pipeline reference for scband-c-idht-60215441490183 (READ-ONLY COPY).

The authoritative reference and input builder live on the scoring server;
editing this copy changes nothing except your own understanding.
"""

import jax, jax.numpy as jnp
import numpy as np

NUMANGLE = 180
NUMRHO = 184
OUT_H = 128
OUT_W = 128
N = 8
C = 128


def _rho_indices(H, W, numangle, numrho):
    # Matches deep-hough-transform CUDA kernel index math:
    #   irho = int(sqrt(H*H + W*W) + 1) / (numrho - 1)
    #   theta = angle * (pi / numangle)
    #   r = round((x - W/2)*cos(theta)/irho + (y - H/2)*sin(theta)/irho) + numrho/2
    # Out-of-range rho contributes zero (kernel skips it), handled via mask.
    irho = float(int(np.sqrt(H * H + W * W) + 1)) / float(numrho - 1)
    angles = np.arange(numangle).astype(np.float64) * (np.pi / numangle)
    cosi = np.cos(angles) / irho
    sini = np.sin(angles) / irho
    xs = (np.arange(W) - W // 2).astype(np.float64)
    ys = (np.arange(H) - H // 2).astype(np.float64)
    r = np.round(cosi[:, None, None] * xs[None, None, :] + sini[:, None, None] * ys[None, :, None]).astype(np.int32) + numrho // 2
    valid = (r >= 0) & (r < numrho)
    r_safe = np.clip(r, 0, numrho - 1)
    return jnp.asarray(r_safe), jnp.asarray(valid)


def setup_inputs(seed: int = 0) -> dict:
    key = jax.random.key(seed)
    accumulator = jax.random.normal(key, (N, C, NUMANGLE, NUMRHO), dtype=jnp.float32)
    return {"accumulator": accumulator}


def reference(accumulator):
    n, c, a, rr = accumulator.shape
    r_idx, valid = _rho_indices(OUT_H, OUT_W, NUMANGLE, NUMRHO)  # [A, H, W]
    acc_t = jnp.transpose(accumulator, (2, 0, 1, 3))  # [A, N, C, R]

    def body(carry, inp):
        acc_slice, r_slice, v_slice = inp  # [N,C,R], [H,W], [H,W]
        gathered = acc_slice[:, :, r_slice]  # [N, C, H, W] gather along rho
        gathered = jnp.where(v_slice[None, None, :, :], gathered, 0.0)
        return carry + gathered, None

    out0 = jnp.zeros((n, c, OUT_H, OUT_W), dtype=accumulator.dtype)
    out, _ = jax.lax.scan(body, out0, (acc_t, r_idx, valid))
    return out

if __name__ == "__main__":
    import jax
    _d = setup_inputs()
    print(jax.jit(kernel)(*tuple(_d.values())))

</pallas_src>

<mosaic_0001>
module attributes {stable_mosaic.version = 14 : i64} {
  func.func @_idht_block(%arg0: i32, %arg1: i32, %arg2: memref<1x4x2048xi32, #tpu.memory_space<vmem>>, %arg3: memref<1x1024x768xbf16, #tpu.memory_space<vmem>>, %arg4: memref<1024x2048xf32, #tpu.memory_space<vmem>>) attributes {dimension_semantics = [#tpu.dimension_semantics<parallel>, #tpu.dimension_semantics<arbitrary>], iteration_bounds = array<i64: 8, 45>, scalar_prefetch = 0 : i64, scratch_operands = 0 : i64, tpu.core_type = #tpu.core_type<tc>, window_params = [{transform_indices = @transform_0, window_bounds = array<i64: 1, 4, 2048>}, {transform_indices = @transform_1, window_bounds = array<i64: 1, 1024, 768>}, {transform_indices = @transform_2, window_bounds = array<i64: 1024, 2048>}]} {
    %iota3A = tpu.iota {dimensions = array<i32: 0>} : vector<768x2048xi32>
    %get3A = arith.constant 0 : index
    %get3A_0 = arith.constant 0 : index
    %get3A_1 = arith.constant 0 : index
    %get3A_2 = vector.load %arg2[%get3A, %get3A_0, %get3A_1] : memref<1x4x2048xi32, #tpu.memory_space<vmem>>, vector<1x1x2048xi32>
    %get3A_3 = vector.shape_cast %get3A_2 : vector<1x1x2048xi32> to vector<2048xi32>
    %broadcast_in_dim3A = vector.shape_cast %get3A_3 : vector<2048xi32> to vector<1x2048xi32>
    %eq3A = vector.broadcast %broadcast_in_dim3A : vector<1x2048xi32> to vector<768x2048xi32>
    %eq3A_4 = arith.cmpi eq, %iota3A, %eq3A : vector<768x2048xi32>
    %get3A_5 = arith.constant 0 : index
    %get3A_6 = arith.constant 1 : index
    %get3A_7 = arith.constant 0 : index
    %get3A_8 = vector.load %arg2[%get3A_5, %get3A_6, %get3A_7] : memref<1x4x2048xi32, #tpu.memory_space<vmem>>, vector<1x1x2048xi32>
    %get3A_9 = vector.shape_cast %get3A_8 : vector<1x1x2048xi32> to vector<2048xi32>
    %broadcast_in_dim3A_10 = vector.shape_cast %get3A_9 : vector<2048xi32> to vector<1x2048xi32>
    %eq3A_11 = vector.broadcast %broadcast_in_dim3A_10 : vector<1x2048xi32> to vector<768x2048xi32>
    %eq3A_12 = arith.cmpi eq, %iota3A, %eq3A_11 : vector<768x2048xi32>
    %or3A = arith.ori %eq3A_4, %eq3A_12 : vector<768x2048xi1>
    %get3A_13 = arith.constant 0 : index
    %get3A_14 = arith.constant 2 : index
    %get3A_15 = arith.constant 0 : index
    %get3A_16 = vector.load %arg2[%get3A_13, %get3A_14, %get3A_15] : memref<1x4x2048xi32, #tpu.memory_space<vmem>>, vector<1x1x2048xi32>
    %get3A_17 = vector.shape_cast %get3A_16 : vector<1x1x2048xi32> to vector<2048xi32>
    %broadcast_in_dim3A_18 = vector.shape_cast %get3A_17 : vector<2048xi32> to vector<1x2048xi32>
    %eq3A_19 = vector.broadcast %broadcast_in_dim3A_18 : vector<1x2048xi32> to vector<768x2048xi32>
    %eq3A_20 = arith.cmpi eq, %iota3A, %eq3A_19 : vector<768x2048xi32>
    %or3A_21 = arith.ori %or3A, %eq3A_20 : vector<768x2048xi1>
    %get3A_22 = arith.constant 0 : index
    %get3A_23 = arith.constant 3 : index
    %get3A_24 = arith.constant 0 : index
    %get3A_25 = vector.load %arg2[%get3A_22, %get3A_23, %get3A_24] : memref<1x4x2048xi32, #tpu.memory_space<vmem>>, vector<1x1x2048xi32>
    %get3A_26 = vector.shape_cast %get3A_25 : vector<1x1x2048xi32> to vector<2048xi32>
    %broadcast_in_dim3A_27 = vector.shape_cast %get3A_26 : vector<2048xi32> to vector<1x2048xi32>
    %eq3A_28 = vector.broadcast %broadcast_in_dim3A_27 : vector<1x2048xi32> to vector<768x2048xi32>
    %eq3A_29 = arith.cmpi eq, %iota3A, %eq3A_28 : vector<768x2048xi32>
    %or3A_30 = arith.ori %or3A_21, %eq3A_29 : vector<768x2048xi1>
    %convert_element_type3A = arith.extui %or3A_30 : vector<768x2048xi1> to vector<768x2048xi32>
    %convert_element_type3A_31 = arith.sitofp %convert_element_type3A : vector<768x2048xi32> to vector<768x2048xf32>
    %convert_element_type3A_32 = arith.truncf %convert_element_type3A_31 : vector<768x2048xf32> to vector<768x2048xbf16>
    %get3A_33 = arith.constant 0 : index
    %get3A_34 = arith.constant 0 : index
    %get3A_35 = arith.constant 0 : index
    %get3A_36 = vector.load %arg3[%get3A_33, %get3A_34, %get3A_35] : memref<1x1024x768xbf16, #tpu.memory_space<vmem>>, vector<1x1024x768xbf16>
    %get3A_37 = vector.shape_cast %get3A_36 : vector<1x1024x768xbf16> to vector<1024x768xbf16>
    %dot_general3A = arith.constant dense<0.000000e+00> : vector<1024x2048xf32>
    %dot_general3A_38 = tpu.matmul %get3A_37, %convert_element_type3A_32, %dot_general3A {dimension_numbers = #tpu.dot_dimension_numbers<[1], [0], [0], [1], [0, 0, 1, 1], [], []>, transpose_lhs_hint = false} : vector<1024x768xbf16>, vector<768x2048xbf16>, vector<1024x2048xf32> -> vector<1024x2048xf32>
    %eq3A_39 = arith.constant 0 : i32
    %eq3A_40 = arith.cmpi eq, %arg1, %eq3A_39 : i32
    %convert_element_type3A_41 = arith.extui %eq3A_40 : i1 to i32
    %cond3A = arith.constant 0 : i32
    %cond3A_42 = arith.cmpi ne, %convert_element_type3A_41, %cond3A : i32
    scf.if %cond3A_42 {
      %swap3A = arith.constant 0 : index
      %swap3A_47 = arith.constant 0 : index
      %swap3A_48 = vector.load %arg4[%swap3A, %swap3A_47] : memref<1024x2048xf32, #tpu.memory_space<vmem>>, vector<1024x2048xf32>
      tpu.vector_store %arg4[%swap3A, %swap3A_47], %dot_general3A_38 {strides = array<i32>} : memref<1024x2048xf32, #tpu.memory_space<vmem>>, vector<1024x2048xf32>,
    } else {
    }
    %gt3A = arith.constant 0 : i32
    %gt3A_43 = arith.cmpi sgt, %arg1, %gt3A : i32
    %convert_element_type3A_44 = arith.extui %gt3A_43 : i1 to i32
    %cond3A_45 = arith.constant 0 : i32
    %cond3A_46 = arith.cmpi ne, %convert_element_type3A_44, %cond3A_45 : i32
    scf.if %cond3A_46 {
      %get3A_47 = arith.constant 0 : index
      %get3A_48 = arith.constant 0 : index
      %get3A_49 = vector.load %arg4[%get3A_47, %get3A_48] : memref<1024x2048xf32, #tpu.memory_space<vmem>>, vector<1024x2048xf32>
      %add3A = arith.addf %get3A_49, %dot_general3A_38 : vector<1024x2048xf32>
      %swap3A = arith.constant 0 : index
      %swap3A_50 = arith.constant 0 : index
      %swap3A_51 = vector.load %arg4[%swap3A, %swap3A_50] : memref<1024x2048xf32, #tpu.memory_space<vmem>>, vector<1024x2048xf32>
      tpu.vector_store %arg4[%swap3A, %swap3A_50], %add3A {strides = array<i32>} : memref<1024x2048xf32, #tpu.memory_space<vmem>>, vector<1024x2048xf32>,
    } else {
    }
    return
  }
  func.func @transform_0(%arg0: i32, %arg1: i32) -> (i32, i32, i32) {
    %c0_i32 = arith.constant 0 : i32
    %c0_i32_0 = arith.constant 0 : i32
    return %arg1, %c0_i32, %arg0 : i32, i32, i32
  }
  func.func @transform_1(%arg0: i32, %arg1: i32) -> (i32, i32, i32) {
    %c0_i32 = arith.constant 0 : i32
    %c0_i32_0 = arith.constant 0 : i32
    %c0_i32_1 = arith.constant 0 : i32
    return %arg1, %c0_i32, %c0_i32_0 : i32, i32, i32
  }
  func.func @transform_2(%arg0: i32, %arg1: i32) -> (i32, i32) {
    %c0_i32 = arith.constant 0 : i32
    %c0_i32_0 = arith.constant 0 : i32
    return %c0_i32, %arg0 : i32, i32
  }
}

</mosaic_0001>

<sc_bundles>
// kernel: sparse-core-data-format-call.1.cloned.1.call-start
scs
called_computation.1_lowered:
.L_overlay_start_0:
0x0: {  	s1 =	sld [smem:$0x3FD9]  }
0x1: {  	s2 =	sld [smem:$0x3FFE];
	_ =	sdelay $0x1  }
0x2: {  	s3 =	srdreg.scid  }
0x3: {  	s0 =	sand.u32 $0x1, s3  }
0x4: {  	s17 =	sshll.u32 s0, $0xA;
	s1 =	sadd.s32 s2, s1  }
0x5: {  	s1 =	sadd.s32 s1, s17  }
0x6: {  	[smem:$0x3FC7] =	sst s1  }
0x7: {  	_ = 	snop  }
0x8: {  	(tm) =	ssettm $0x1  }
0x9: {  	s18 =	sld [smem:$0x3FFB];
	_ =	sdelay $0x3  }
0xa: {  	_ =	strace s18  }
0xb: {  	s1 =	sld [smem:$0x3FFC];
	_ =	sdelay $0x3  }
0xc: {  	_ =	strace s1  }
0xd: {  	s1 =	sld [smem:$0x3FFD];
	_ =	sdelay $0x3  }
0xe: {  	_ =	strace s1  }
0xf: {  	_ =	strace $0x8FFFFFFF  }
0x10: {  	s19 =	sld [smem:$0x3FDB];
	_ =	sdelay $0x1  }
0x11: {  	s20 =	simm.s32 $_scs_section_size  }
0x12: {  	s4 =	simm.s32 $_size__tile_overlayer_lowered;
	s5 =	simm.s32 $_tile_overlayer_lowered  }
0x13: {  	s23 =	simm.s32 $0x1BFF;
	s22 =	sshll.u32 s5, $0x1;
	s1 =	sadd.s32 s20, s19  }
0x14: {  	s6 =	simm.s32 $0x0;
	s21 =	sshll.u32 s4, $0x1;
	s4 =	sadd.s32 s22, s1  }
0x15: {  	[timem:s6], [sflag:s23] =	dma.local [hbm:s4], s21  }
0x16: {  	_ =	swait.ge [sflag:s23], s21  }
0x17: {  	s2 =	ssub.s32 $0x0, s21;
	[sflag:s23] =	ssyncset.done $0x0  }
0x18: {  	[sflag:s23] =	ssyncadd.s32 s2;
	_ =	sdelay $0x1  }
0x19: {  	s24 =	simm.s32 $0x1B8B  }
0x1a: {  	_ =	swait.ge [sflag:s24], $0x1  }
0x1b: {  	[sflag:s24] =	ssyncset.done $0x0  }
0x1c: {  	s26 =	simm.s32 $0x1B8E;
	s25 =	sld [smem:$0x3FFE];
	[sflag:s24] =	ssyncadd.s32 $0xFFFFFFFF  }
0x1d: {  	s27 =	simm.s32 $execute0_lowered;
	[smem:$0x3FD2] =	sst s26  }
0x1e: {  	s4 =	sshll.u32 s27, $0x1;
	_ =	strace $0x80000046;
	[dreg:$0x1] =	wrdreg $0xFFFFFFFF  }
0x1f: {  	s28 =	simm.s32 $_size_execute0_lowered;
	s1 =	sadd.s32 s1, s4;
	[dreg:$0x0] =	wrdreg $0x0  }
0x20: {  	s4 =	sshll.u32 s28, $0x1;
	[dreg:$0x2] =	wrdreg s1  }
0x21: {  	[dreg:$0x3] =	wrdreg s4  }
0x22: {  	[dreg:$0x4] =	wrdreg $0xC0  }
0x23: {  	_ =	task [dreg:s6], $0x5FFFF  }
0x24: {  	[dreg:$0x1] =	wrdreg $0xFFFFFFFF  }
0x25: {  	[dreg:$0x0] =	wrdreg $0x60  }
0x26: {  	[dreg:$0x2] =	wrdreg s25  }
0x27: {  	[dreg:$0x3] =	wrdreg $0x9  }
0x28: {  	_ =	task.clear_ibuf [dreg:s6], $0x4FFFF;
	_ =	strace $0x90000046  }
0x29: {  	s29 =	simm.s32 $0x9;
	_ =	strace $0x80000048  }
0x2a: {  	_ =	swait.ge [sflag:s29], $0x1  }
0x2b: {  	[sflag:s29] =	ssyncadd.s32 $0xFFFFFFFF  }
0x2c: {  	_ =	strace $0x90000048  }
0x2d: {  	_ =	sfence  }
0x2e: {  	s30 =	sld [smem:$0x0];
	_ =	sdelay $0x2  }
0x2f: {  	s31 =	sshll.u32 s3, $0xD;
	s3 =	sshrl.u32 s3, $0x2  }
0x30: {  	s2 =	sand.u32 $0x4000, s31;
	s1 =	sadd.s32 s3, s30  }
0x31: {  	s0 =	sor.u32 s2, s0;
	s1 =	sshll.u32 s1, $0x11  }
0x32: {  	s0 =	sor.u32 s1, s0  }
0x33: {  	s0 =	sadd.s32 $0x8F2B, s0  }
0x34: {  	[sflag:s0] =	ssyncadd.remote.s32 $0x1  }
0x35: {  	_ =	sfence.sel $0xFFFF  }
0x36: {  	[dreg:$0x0] =	wrdreg $0xFFFFFFFF;
	(pc) =	sbr.abs _section_cstart, $3  }
0x37: {  	[dreg:$0x1] =	wrdreg $0xFFFFFFFF  }
0x38: {  	_ =	task.clear_ibuf [dreg:s6], $0x2FFFF;
	_ =	strace $0x9FFFFFFF  }
0x39: {  	(tm) =	ssettm $0x7FFFFFFF  }
tec
execute0_lowered:
.L_overlay_start_1:
0x0: {  	(tag) =	ssettag $0x1  }
0x1: {  	s0 =	stileid.u32  }
0x2: {  	s1 =	srdreg.scid;
	s6 =	rddreg [dreg:$0x0]  }
0x3: {  	s9 =	simm.s32 $0x0;
	s31 =	simm.s32 $0x2;
	s14 =	simm.s32 $0x0  }
0x4: {  	s13 =	simm.s32 $0x0;
	s12 =	simm.s32 $0x0;
	s10 =	simm.s32 $0x0  }
0x5: {  	s2 =	sshll.u32 s0, $0x5;
	s1 =	sshll.u32 s1, $0x9;
	s3 =	sshll.u32 s0, $0x7  }
0x6: {  	s11 =	simm.s32 $0x0;
	s1 =	sor.u32 s2, s1;
	s3 =	sand.u32 $0x380, s3  }
0x7: {  	s2 =	sand.u32 $0x300, s1;
	s1 =	rddreg [dreg:$0x1];
	s5 =	ssub.s32 $0x300, s3  }
0x8: {  	_ =	strace $0x80000047;
	s4 =	sshrl.u32 s2, $0x7;
	p1 =	sgt.s32 s5, $0x0  }
0x9: {  	s8 =	ssub.s32 $0x400, s2;
	s4 =	sor.u32 s3, s4;
	s5 =	simm.s32 @!p1 $0x0  }
0xa: {  	s30 =	sand.u32 $0x300, s8;
	p0 =	slt.u32 s4, $0x300;
	s4 =	sshll.u32 s4, $0x6  }
0xb: {  	s29 =	sand.u32 $0x380, s5;
	p1 =	sne.s32 s30, $0x0;
	s5 =	simm.s32 $0x1  }
0xc: {  	s8 =	sshrl.u32 s8, $0xA;
	s7 =	sadd.s32 $0xFFFF4000, s4;
	s5 =	simm.s32 @!p1 $0x0  }
.Ltmp0:
0xd: {  	s7 =	smov.u32 @p0 s4;
	p0 =	seq.s32 s29, $0x0;
	(pc) =	sbr.rel .LBB1_1-.Ltmp0, $4  }
0xe: {  	s4 =	simm.s32 $0x1;
	s5 =	sadd.s32 s5, s8;
	s9 =	simm.s32 @!p0 $0x2D  }
0xf: {  	[sflag:s4] =	ssyncpa.u1 $0x0;
	s7 =	sadd.s32 s7, s6;
	s5 =	smul.u32 s9, s5  }
0x10: {  	s6 =	sadd.s32 $0x422200, s6;
	p0 =	por $0x0, $0x0;
	[sflag:s31] =	ssyncpa.u1 $0x0  }
0x11: {  	s7 =	sadd.s32 $0x206200, s7;
	s9 =	simm.s32 $0xC00;
	s8 =	sadd.s32 $0x1, s5  }
.LBB1_4:
0x12: {  	[tilespmem:s19+$0x1 ss:$0x81] =	vst.msk $0xffff, v11;
	v7 =	vcombine.high v7, v9;
	v4 =	vperm.xlane.i2c.b16 v4;
	v49 =	vld [tilespmem:s17+$0x230]  }
0x13: {  	[tilespmem:s19+$0x810 ss:$0x81] =	vst.msk $0xffff, v12;
	v50 =	vcombine.low v8, v10;
	v3 =	vperm.xlane.i2c.b16 v3;
	s14 =	sshrl.u32 s14, $0x3;
	v51 =	vld [tilespmem:s17+$0x240]  }
0x14: {  	v52 =	vcombine.high v8, v10;
	v53 =	vld [tilespmem:s17+$0x250];
	v0 =	vcombine.high v0, v1;
	s14 =	smul.u32 $0x1800, s14;
	[tilespmem:s19+$0x811 ss:$0x81] =	vst.msk $0xffff, v7  }
0x15: {  	v5 =	vperm.xlane.i2c.b16 v5;
	v2 =	vperm.xlane.i2c.b16 v2;
	s13 =	sshll.u32 s13, $0x3;
	[tilespmem:s19+$0x1020 ss:$0x81] =	vst.msk $0xffff, v50  }
0x16: {  	v55 =	vperm.xlane.i2c.b16 v6;
	v54 =	vcombine.low v4, v3;
	[tilespmem:s15+$0x3061 ss:$0x81] =	vst.msk $0xffff, v0;
	s13 =	sor.u32 s13, s14  }
0x17: {  	v3 =	vcombine.high v4, v3;
	v56 =	vcombine.low v5, v2;
	[tilespmem:s19+$0x1021 ss:$0x81] =	vst.msk $0xffff, v52;
	s14 =	smulhi.u32 $0xAAAAAAAB, s13  }
0x18: {  	v2 =	vcombine.high v5, v2;
	[tilespmem:s19+$0x1830 ss:$0x81] =	vst.msk $0xffff, v54;
	v57 =	vperm.xlane.i2c.b16 v49  }
0x19: {  	[tilespmem:s19+$0x2040 ss:$0x81] =	vst.msk $0xffff, v56;
	v58 =	vperm.xlane.i2c.b16 v51;
	v60 =	vperm.xlane.i2c.b16 v53;
	s14 =	sshrl.u32 s14, $0x9  }
0x1a: {  	[tilespmem:s19+$0x1831 ss:$0x81] =	vst.msk $0xffff, v3;
	v59 =	vcombine.low v55, v57;
	s16 =	smul.u32 $0x300, s14  }
0x1b: {  	s12 =	smul.u32 $0xC000, s12;
	[tilespmem:s19+$0x2041 ss:$0x81] =	vst.msk $0xffff, v2;
	v62 =	vcombine.low v58, v60  }
0x1c: {  	v61 =	vcombine.high v55, v57;
	s14 =	smul.u32 $0x30, s14;
	[tilespmem:s19+$0x2850 ss:$0x81] =	vst.msk $0xffff, v59;
	s13 =	ssub.s32 s13, s16  }
0x1d: {  	s12 =	sadd.s32 s6, s12;
	v63 =	vcombine.high v58, v60;
	[tilespmem:s19+$0x3060 ss:$0x81] =	vst.msk $0xffff, v62;
	s29 =	sshll.u32 s13, $0x11  }
0x1e: {  	s12 =	sadd.s32 s14, s12;
	[tilespmem:s19+$0x2851 ss:$0x81] =	vst.msk $0xffff, v61;
	s13 =	sshrl.u32 s13, $0x4;
	s30 =	sand.u32 $0x100000, s29  }
0x1f: {  	[tilespmem:s19+$0x3061 ss:$0x81] =	vst.msk $0xffff, v63;
	s12 =	sadd.s32 s13, s12;
	s31 =	sor.u32 $0x200, s30  }
0x20: {  	[hbm4b:s12+s31] =	stream.strided.scatter [tilespmem:s20], [sflag:$0x2], $0x4000, s9, s31, $0x20;
	[tilespmem:$0x10100] =	vst v63  }
.LBB1_5:
0x21: {  	s15 =	sadd.s32 $0x1, s10  }
0x22: {  	p2 =	sgt.s32 s15, $0x2C  }
0x23: {  	s15 =	simm.s32 @p2 $0x0;
	p2 =	sne.s32 s11, s8  }
.Ltmp1:
0x24: {  	p1 =	slt.u32 s11, $0x2;
	(pc) =	sbr.rel @!p2 .LBB1_6-.Ltmp1, $4  }
0x25: {  	s16 =	sadd.s32 $0x1, s11;
	s13 =	simm.s32 @!p1 $0x2  }
0x26: {  	s12 =	smov.u32 s10;
	p0 =	por !p0, !p0;
	_ =	swait.ge @!p1 [sflag:s13], $0x4000  }
0x27: {  	s14 =	smov.u32 s2;
	s11 =	smov.u32 s16;
	[sflag:s13] =	ssyncset.done @!p1 $0x0  }
0x28: {  	s10 =	smov.u32 s15;
	[sflag:s13] =	ssyncadd.s32 @!p1 $0xFFFFC000;
	s13 =	smov.u32 s3  }
.LBB1_1:
0x29: {  	p1 =	sge.u32 s11, s5  }
0x2a: {  	s15 =	smul.u32 @!p1 $0xC000, s10;
	s16 =	sxor.u32 @!p1 $0xFFFFFFFF, s11  }
0x2b: {  	s31 =	sadd.s32 $0xFFFFFFFF, s11;
	s17 =	simm.s32 @!p1 $0x400;
	s16 =	sshll.u32 @!p1 s16, $0xE  }
0x2c: {  	s18 =	simm.s32 @!p1 $0x1000;
	s15 =	sadd.s32 @!p1 s15, s7;
	s16 =	sand.u32 @!p1 $0x4000, s16  }
0x2d: {  	[tilespmem:s16], [sflag:$0x1] =	stream.strided.gather @!p1 [hbm4b:s15+s17], $0x4000, s18, s17, $0x38;
	[tilespmem:$0x10100] =	vst v63  }
0x2e: {  	p1 =	sge.u32 s31, s5  }
.Ltmp2:
0x2f: {  	_ = 	snop;
	(pc) =	sbr.rel @p1 .LBB1_5-.Ltmp2, $1  }
0x30: {  	_ =	sdelay $0x3  }
0x31: {  	s19 =	sand.u32 $0x1, s11;
	s15 =	simm.s32 $0x0  }
0x32: {  	_ =	swait.ge [sflag:s4], $0x4000;
	s16 =	sshll.u32 s19, $0xE;
	s17 =	sand.u32 $0x3C00, s15  }
0x33: {  	[sflag:s4] =	ssyncset.done $0x0;
	s15 =	sand.u32 $0x180, s15;
	s17 =	sadd.s32 s17, s16  }
0x34: {  	[sflag:s4] =	ssyncadd.s32 $0xFFFFC000;
	s20 =	sadd.s32 s15, s17  }
0x35: {  	v0 =	vld [tilespmem:s20+$0x260]  }
0x36: {  	v1 =	vld [tilespmem:s20+$0x270]  }
0x37: {  	v2 =	vld [tilespmem:s20+$0x0]  }
0x38: {  	v3 =	vld [tilespmem:s20+$0x10]  }
0x39: {  	v4 =	vld [tilespmem:s20+$0x20]  }
0x3a: {  	s15 =	simm.s32 $0x1;
	v5 =	vld [tilespmem:s20+$0x30]  }
0x3b: {  	s15 =	simm.s32 @!p0 $0x0;
	v6 =	vld [tilespmem:s20+$0x40]  }
0x3c: {  	v7 =	vld [tilespmem:s20+$0x50];
	s15 =	smul.u32 $0x10200, s15;
	v1 =	vperm.xlane.i2c.b16 v1;
	v0 =	vperm.xlane.i2c.b16 v0  }
0x3d: {  	v8 =	vld [tilespmem:s20+$0x60];
	v2 =	vperm.xlane.i2c.b16 v2;
	v3 =	vperm.xlane.i2c.b16 v3  }
0x3e: {  	v10 =	vld [tilespmem:s20+$0x70];
	s15 =	sshrl.u32 s15, $0x2;
	v9 =	vcombine.low v0, v1;
	v0 =	vcombine.high v0, v1  }
0x3f: {  	s15 =	sor.u32 $0x8000, s15;
	v1 =	vperm.xlane.i2c.b16 v5;
	v5 =	vld [tilespmem:s20+$0x200];
	v11 =	vcombine.low v2, v3  }
0x40: {  	v4 =	vperm.xlane.i2c.b16 v4;
	v2 =	vcombine.high v2, v3;
	v3 =	vld [tilespmem:s20+$0x210];
	[tilespmem:s15+$0x3870 ss:$0x81] =	vst.msk $0xffff, v9  }
0x41: {  	s30 =	simm.s32 $0x100;
	v6 =	vperm.xlane.i2c.b16 v6;
	v7 =	vperm.xlane.i2c.b16 v7;
	v9 =	vld [tilespmem:s20+$0x220];
	[tilespmem:s15+$0x0 ss:$0x81] =	vst.msk $0xffff, v11  }
0x42: {  	s18 =	simm.s32 $0x80;
	s17 =	sand.u32 $0x3C00, s30;
	[tilespmem:s15+$0x3871 ss:$0x81] =	vst.msk $0xffff, v0;
	v0 =	vcombine.low v4, v1;
	v1 =	vcombine.high v4, v1;
	v4 =	vld [tilespmem:s20+$0x230]  }
0x43: {  	s21 =	sand.u32 $0x180, s18;
	s17 =	sadd.s32 s17, s16;
	[tilespmem:s15+$0x1 ss:$0x81] =	vst.msk $0xffff, v2;
	v2 =	vperm.xlane.i2c.b16 v8;
	v8 =	vperm.xlane.i2c.b16 v10;
	v10 =	vld [tilespmem:s20+$0x240]  }
0x44: {  	s17 =	sadd.s32 s21, s17;
	[tilespmem:s15+$0x810 ss:$0x81] =	vst.msk $0xffff, v0;
	v0 =	vcombine.low v6, v7;
	v6 =	vcombine.high v6, v7;
	v7 =	vld [tilespmem:s20+$0x250]  }
0x45: {  	v11 =	vcombine.low v2, v8;
	v2 =	vcombine.high v2, v8;
	v8 =	vld [tilespmem:s17+$0x0];
	[tilespmem:s15+$0x811 ss:$0x81] =	vst.msk $0xffff, v1  }
0x46: {  	v1 =	vperm.xlane.i2c.b16 v5;
	v5 =	vld [tilespmem:s17+$0x260];
	[tilespmem:s15+$0x1020 ss:$0x81] =	vst.msk $0xffff, v0;
	v0 =	vperm.xlane.i2c.b16 v3  }
0x47: {  	v3 =	vld [tilespmem:s17+$0x270];
	[tilespmem:s15+$0x1021 ss:$0x81] =	vst.msk $0xffff, v6;
	v6 =	vperm.xlane.i2c.b16 v9  }
0x48: {  	[tilespmem:s15+$0x1830 ss:$0x81] =	vst.msk $0xffff, v11;
	v11 =	vld [tilespmem:s17+$0x10];
	v4 =	vperm.xlane.i2c.b16 v4;
	v9 =	vcombine.low v1, v0  }
0x49: {  	v12 =	vcombine.high v1, v0;
	v0 =	vperm.xlane.i2c.b16 v10  }
0x4a: {  	[tilespmem:s15+$0x1831 ss:$0x81] =	vst.msk $0xffff, v2;
	v2 =	vld [tilespmem:s17+$0x20];
	v10 =	vcombine.low v6, v4;
	v1 =	vperm.xlane.i2c.b16 v7  }
0x4b: {  	v4 =	vcombine.high v6, v4;
	v8 =	vperm.xlane.i2c.b16 v8;
	[tilespmem:s15+$0x2040 ss:$0x81] =	vst.msk $0xffff, v9;
	v9 =	vld [tilespmem:s17+$0x30]  }
0x4c: {  	v6 =	vld [tilespmem:s17+$0x40];
	v5 =	vperm.xlane.i2c.b16 v5;
	[tilespmem:s15+$0x2041 ss:$0x81] =	vst.msk $0xffff, v12;
	v12 =	vperm.xlane.i2c.b16 v3  }
0x4d: {  	[tilespmem:s15+$0x2850 ss:$0x81] =	vst.msk $0xffff, v10;
	v10 =	vld [tilespmem:s17+$0x50];
	v13 =	vcombine.low v0, v1;
	v11 =	vperm.xlane.i2c.b16 v11  }
0x4e: {  	[tilespmem:s15+$0x2851 ss:$0x81] =	vst.msk $0xffff, v4;
	v4 =	vld [tilespmem:s17+$0x60];
	v14 =	vcombine.low v5, v12  }
0x4f: {  	s31 =	smul.u32 $0x10200, s19;
	s19 =	sadd.s32 $0x2, s15;
	v3 =	vld [tilespmem:s17+$0x70];
	v7 =	vperm.xlane.i2c.b16 v2;
	[tilespmem:s15+$0x3060 ss:$0x81] =	vst.msk $0xffff, v13;
	v13 =	vcombine.low v8, v11  }
0x50: {  	v12 =	vcombine.high v5, v12;
	v5 =	vld [tilespmem:s17+$0x200];
	v9 =	vperm.xlane.i2c.b16 v9;
	[tilespmem:s19+$0x3870 ss:$0x81] =	vst.msk $0xffff, v14  }
0x51: {  	s20 =	sshrl.u32 s31, $0x2;
	v2 =	vld [tilespmem:s17+$0x210];
	v11 =	vcombine.high v8, v11;
	v8 =	vperm.xlane.i2c.b16 v6;
	[tilespmem:s19+$0x0 ss:$0x81] =	vst.msk $0xffff, v13  }
0x52: {  	s22 =	simm.s32 $0x200;
	s21 =	simm.s32 $0x2;
	s20 =	sor.u32 $0x8000, s20;
	v6 =	vld [tilespmem:s17+$0x220];
	[tilespmem:s19+$0x3871 ss:$0x81] =	vst.msk $0xffff, v12;
	v10 =	vperm.xlane.i2c.b16 v10;
	v12 =	vcombine.low v7, v9  }
.LBB1_3:
0x53: {  	s23 =	sand.u32 $0x3C00, s22;
	[tilespmem:s19+$0x1 ss:$0x81] =	vst.msk $0xffff, v11;
	v7 =	vcombine.high v7, v9;
	v4 =	vperm.xlane.i2c.b16 v4;
	v9 =	vld [tilespmem:s17+$0x230];
	s18 =	sadd.s32 $0x80, s18  }
0x54: {  	v11 =	vcombine.low v8, v10;
	v3 =	vperm.xlane.i2c.b16 v3;
	s24 =	sand.u32 $0x180, s18;
	s23 =	sadd.s32 s23, s16;
	[tilespmem:s19+$0x810 ss:$0x81] =	vst.msk $0xffff, v12;
	v12 =	vld [tilespmem:s17+$0x240]  }
0x55: {  	s21 =	sadd.s32 $0x2, s21;
	v5 =	vperm.xlane.i2c.b16 v5;
	[tilespmem:s19+$0x811 ss:$0x81] =	vst.msk $0xffff, v7;
	v7 =	vcombine.high v8, v10;
	v8 =	vld [tilespmem:s17+$0x250];
	s17 =	sadd.s32 s24, s23  }
0x56: {  	v2 =	vperm.xlane.i2c.b16 v2;
	p1 =	slt.u32 s21, $0x7E;
	v10 =	vld [tilespmem:s17+$0x260];
	[tilespmem:s19+$0x1020 ss:$0x81] =	vst.msk $0xffff, v11;
	v11 =	vcombine.low v4, v3  }
0x57: {  	v3 =	vcombine.high v4, v3;
	v4 =	vperm.xlane.i2c.b16 v6;
	v13 =	vld [tilespmem:s17+$0x270];
	[tilespmem:s19+$0x1021 ss:$0x81] =	vst.msk $0xffff, v7  }
0x58: {  	v7 =	vcombine.low v5, v2;
	v6 =	vld [tilespmem:s17+$0x0];
	[tilespmem:s19+$0x1830 ss:$0x81] =	vst.msk $0xffff, v11;
	v9 =	vperm.xlane.i2c.b16 v9  }
0x59: {  	v2 =	vcombine.high v5, v2;
	v11 =	vld [tilespmem:s17+$0x10];
	[tilespmem:s19+$0x1831 ss:$0x81] =	vst.msk $0xffff, v3;
	v3 =	vperm.xlane.i2c.b16 v12  }
0x5a: {  	v5 =	vld [tilespmem:s17+$0x20];
	[tilespmem:s19+$0x2040 ss:$0x81] =	vst.msk $0xffff, v7;
	v7 =	vcombine.low v4, v9;
	v8 =	vperm.xlane.i2c.b16 v8  }
0x5b: {  	v12 =	vld [tilespmem:s17+$0x30];
	[tilespmem:s19+$0x2041 ss:$0x81] =	vst.msk $0xffff, v2;
	v2 =	vcombine.high v4, v9;
	v9 =	vcombine.high v0, v1;
	v0 =	vmov v3  }
0x5c: {  	v10 =	vperm.xlane.i2c.b16 v10;
	v14 =	vld [tilespmem:s17+$0x40];
	v13 =	vperm.xlane.i2c.b16 v13;
	[tilespmem:s19+$0x2850 ss:$0x81] =	vst.msk $0xffff, v7;
	v1 =	vmov v8  }
0x5d: {  	v6 =	vperm.xlane.i2c.b16 v6;
	v15 =	vld [tilespmem:s17+$0x50];
	[tilespmem:s19+$0x2851 ss:$0x81] =	vst.msk $0xffff, v2;
	v2 =	vcombine.low v0, v1  }
.Ltmp3:
0x5e: {  	v8 =	vperm.xlane.i2c.b16 v11;
	v4 =	vld [tilespmem:s17+$0x60];
	v11 =	vcombine.low v10, v13;
	[tilespmem:s15+$0x3061 ss:$0x81] =	vst.msk $0xffff, v9;
	s15 =	smov.u32 s19;
	(pc) =	sbr.rel @p1 .LBB1_3-.Ltmp3, $4  }
0x5f: {  	v10 =	vcombine.high v10, v13;
	s19 =	sadd.s32 $0x2, s19;
	v7 =	vperm.xlane.i2c.b16 v5;
	v3 =	vld [tilespmem:s17+$0x70];
	[tilespmem:s15+$0x3060 ss:$0x81] =	vst.msk $0xffff, v2  }
0x60: {  	v13 =	vcombine.low v6, v8;
	v9 =	vperm.xlane.i2c.b16 v12;
	v5 =	vld [tilespmem:s17+$0x200];
	[tilespmem:s19+$0x3870 ss:$0x81] =	vst.msk $0xffff, v11  }
0x61: {  	v11 =	vcombine.high v6, v8;
	v8 =	vperm.xlane.i2c.b16 v14;
	v2 =	vld [tilespmem:s17+$0x210];
	[tilespmem:s19+$0x3871 ss:$0x81] =	vst.msk $0xffff, v10  }
0x62: {  	s22 =	sadd.s32 $0x100, s22;
	[tilespmem:s19+$0x0 ss:$0x81] =	vst.msk $0xffff, v13;
	v12 =	vcombine.low v7, v9;
	v10 =	vperm.xlane.i2c.b16 v15;
	v6 =	vld [tilespmem:s17+$0x220]  }
.Ltmp4:
0x63: {  	_ = 	snop;
	(pc) =	sbr.rel .LBB1_4-.Ltmp4, $1  }
0x64: {  	_ =	sdelay $0x3  }
.LBB1_6:
0x65: {  	_ =	sfence.sel $0x180000  }
0x66: {  	s2 =	simm.s32 $0x1;
	[bflag:$0x0] =	sbarrier.arrive $0xFFFF  }
0x67: {  	s31 =	simm.s32 $0x2;
	[sflag:s2] =	ssyncpa.u1 $0x1  }
0x68: {  	[sflag:s31] =	ssyncpa.u1 $0x1  }
0x69: {  	p0 =	sne.s32 s0, $0x0;
	_ =	strace $0x90000047  }
0x6a: {  	s0 =	sadd.s32 @!p0 $0x100000, s1;
	[bflag:$0x2] =	sbarrier.arrive $0xFFFF  }
0x6b: {  	[sflag:s0] =	ssyncadd.tile.s32 @!p0 $0x1;
	_ =	shalt  }
.Lfunc_end1:
_tile_overlayer_lowered:
.L_overlay_start_2:
0x6c: {  	(tag) =	ssettag $0x2  }
0x6d: {  	s0 =	rddreg [dreg:$0x0];
	s2 =	stileid.u32  }
0x6e: {  	s1 =	rddreg [dreg:$0x1];
	p0 =	sne.s32 s2, $0x0  }
0x6f: {  	s3 =	rddreg [dreg:$0x2];
	[bflag:$0x3] =	sbarrier.arrive $0xFFFF;
	s2 =	simm.s32 @!p0 $0x1C01  }
0x70: {  	[timem:s3], [sflag:s2] =	dma.local @!p0 [hbm:s0], s1  }
0x71: {  	s0 =	simm.s32 @!p0 $0x1  }
0x72: {  	_ =	swait.ge @!p0 [sflag:s0], s1  }
0x73: {  	s1 =	ssub.s32 @!p0 $0x0, s1;
	[sflag:s0] =	ssyncset.done @!p0 $0x0  }
0x74: {  	[sflag:s0] =	ssyncadd.s32 @!p0 s1  }
0x75: {  	[bflag:$0x3] =	sbarrier.arrive $0xFFFF  }
0x76: {  	_ =	shalt  }

// kernel: sparse-core-data-format-call.cloned.1.call-start
scs
called_computation_lowered:
.L_overlay_start_0:
0x0: {  	s2 =	sld [smem:$0x3FD9]  }
0x1: {  	s3 =	sld [smem:$0x3FFE];
	_ =	sdelay $0x1  }
0x2: {  	s1 =	srdreg.scid  }
0x3: {  	s0 =	sand.u32 $0x1, s1  }
0x4: {  	s18 =	sshll.u32 s0, $0xA;
	s2 =	sadd.s32 s3, s2  }
0x5: {  	s2 =	sadd.s32 s2, s18  }
0x6: {  	[smem:$0x3FC7] =	sst s2  }
0x7: {  	_ = 	snop  }
0x8: {  	s2 =	sld [smem:$0x3FD0];
	(tm) =	ssettm $0x1  }
0x9: {  	s19 =	sld [smem:$0x3FFB];
	_ =	sdelay $0x3  }
0xa: {  	_ =	strace s19  }
0xb: {  	s3 =	sld [smem:$0x3FFC];
	_ =	sdelay $0x3  }
0xc: {  	_ =	strace s3  }
0xd: {  	s3 =	sld [smem:$0x3FFD];
	_ =	sdelay $0x3  }
0xe: {  	_ =	strace s3  }
0xf: {  	_ =	strace $0x8FFFFFFF  }
0x10: {  	s20 =	sld [smem:$0x3FDB];
	_ =	sdelay $0x1  }
0x11: {  	s4 =	simm.s32 $_scs_section_size  }
0x12: {  	s5 =	simm.s32 $_size__tile_overlayer_lowered;
	s6 =	simm.s32 $_tile_overlayer_lowered  }
0x13: {  	s23 =	simm.s32 $0x1BFF;
	s22 =	sshll.u32 s6, $0x1;
	s3 =	sadd.s32 s4, s20  }
0x14: {  	s7 =	simm.s32 $0x0;
	s21 =	sshll.u32 s5, $0x1;
	s5 =	sadd.s32 s22, s3  }
0x15: {  	[timem:s7], [sflag:s23] =	dma.local [hbm:s5], s21  }
0x16: {  	_ =	swait.ge [sflag:s23], s21  }
0x17: {  	s4 =	ssub.s32 $0x0, s21;
	[sflag:s23] =	ssyncset.done $0x0  }
0x18: {  	[sflag:s23] =	ssyncadd.s32 s4;
	_ =	sdelay $0x1  }
0x19: {  	s24 =	simm.s32 $0x1B8B  }
0x1a: {  	_ =	swait.ge [sflag:s24], $0x1  }
0x1b: {  	[sflag:s24] =	ssyncset.done $0x0  }
0x1c: {  	s26 =	simm.s32 $0x1B8E;
	s25 =	sld [smem:$0x3FFE];
	[sflag:s24] =	ssyncadd.s32 $0xFFFFFFFF  }
0x1d: {  	s27 =	simm.s32 $execute0_lowered;
	[smem:$0x3FD2] =	sst s26  }
0x1e: {  	s5 =	sshll.u32 s27, $0x1;
	_ =	strace $0x80000049;
	[dreg:$0x1] =	wrdreg $0xFFFFFFFF  }
0x1f: {  	s28 =	simm.s32 $_size_execute0_lowered;
	s3 =	sadd.s32 s3, s5;
	[dreg:$0x0] =	wrdreg $0x0  }
0x20: {  	s5 =	sshll.u32 s28, $0x1;
	[dreg:$0x2] =	wrdreg s3  }
0x21: {  	[dreg:$0x3] =	wrdreg s5  }
0x22: {  	[dreg:$0x4] =	wrdreg $0xC0  }
0x23: {  	_ =	task [dreg:s7], $0x5FFFF  }
0x24: {  	[dreg:$0x1] =	wrdreg $0xFFFFFFFF  }
0x25: {  	[dreg:$0x0] =	wrdreg $0x60  }
0x26: {  	[dreg:$0x2] =	wrdreg s25  }
0x27: {  	[dreg:$0x3] =	wrdreg s2  }
0x28: {  	[dreg:$0x4] =	wrdreg $0x9  }
0x29: {  	_ =	task.clear_ibuf [dreg:s7], $0x5FFFF;
	_ =	strace $0x90000049  }
0x2a: {  	s29 =	simm.s32 $0x9;
	_ =	strace $0x8000004B  }
0x2b: {  	_ =	swait.ge [sflag:s29], $0x1  }
0x2c: {  	[sflag:s29] =	ssyncadd.s32 $0xFFFFFFFF  }
0x2d: {  	_ =	strace $0x9000004B  }
0x2e: {  	_ =	sfence  }
0x2f: {  	s30 =	sld [smem:$0x0];
	_ =	sdelay $0x2  }
0x30: {  	s31 =	sshll.u32 s1, $0xD;
	s1 =	sshrl.u32 s1, $0x2  }
0x31: {  	s3 =	sand.u32 $0x4000, s31;
	s1 =	sadd.s32 s1, s30  }
0x32: {  	s0 =	sor.u32 s3, s0;
	s1 =	sshll.u32 s1, $0x11  }
0x33: {  	s0 =	sor.u32 s1, s0  }
0x34: {  	s0 =	sadd.s32 $0x8F2B, s0  }
0x35: {  	[sflag:s0] =	ssyncadd.remote.s32 $0x1  }
0x36: {  	_ =	sfence.sel $0xFFFF  }
0x37: {  	[dreg:$0x0] =	wrdreg $0xFFFFFFFF;
	(pc) =	sbr.abs _section_cstart, $3  }
0x38: {  	[dreg:$0x1] =	wrdreg $0xFFFFFFFF  }
0x39: {  	_ =	task.clear_ibuf [dreg:s7], $0x2FFFF;
	_ =	strace $0x9FFFFFFF  }
0x3a: {  	(tm) =	ssettm $0x7FFFFFFF  }
0x3b: {  	_ =	shalt  }
tec
execute0_lowered:
.L_overlay_start_1:
0x0: {  	(tag) =	ssettag $0x1  }
0x1: {  	s1 =	rddreg [dreg:$0x0]  }
0x2: {  	s2 =	rddreg [dreg:$0x1]  }
0x3: {  	s0 =	rddreg [dreg:$0x2];
	_ =	strace $0x8000004A;
	s4 =	srdreg.scid  }
0x4: {  	s6 =	simm.s32 $0x2;
	s11 =	simm.s32 $0x0;
	p0 =	por $0x0, $0x0  }
.Ltmp0:
0x5: {  	s7 =	simm.s32 $0x4000;
	s12 =	simm.s32 $0x0;
	(pc) =	sbr.rel .LBB1_1-.Ltmp0, $4  }
0x6: {  	s9 =	simm.s32 $0x0;
	s3 =	sadd.s32 $0xA00, s1;
	s5 =	sshll.u32 s4, $0x4  }
0x7: {  	s1 =	stileid.u32;
	s4 =	simm.s32 $0x1;
	s5 =	sand.u32 $0x10, s5  }
0x8: {  	s8 =	simm.s32 $0x0;
	[sflag:s4] =	ssyncpa.u1 $0x0;
	s5 =	sor.u32 s1, s5  }
0x9: {  	[sflag:s6] =	ssyncpa.u1 $0x0;
	s6 =	simm.s32 $0x800;
	s10 =	smov.u32 s5  }
.LBB1_7:
0xa: {  	s13 =	sadd.s32 $0x10, s9  }
0xb: {  	s11 =	sadd.s32 $0x20, s10;
	s15 =	smov.u32 s10;
	p2 =	sgt.s32 s13, $0x7F  }
0xc: {  	p1 =	slt.u32 s8, $0x2;
	s15 =	smov.u32 @p2 s11  }
0xd: {  	s8 =	sadd.s32 $0x1, s8;
	s13 =	simm.s32 @p2 $0x0;
	p2 =	sgt.s32 s15, $0x7F  }
0xe: {  	s15 =	smov.u32 @p2 s5;
	p2 =	sne.s32 s8, $0x22  }
.Ltmp1:
0xf: {  	_ = 	snop;
	(pc) =	sbr.rel @!p2 .LBB1_8-.Ltmp1, $4  }
0x10: {  	s14 =	simm.s32 @!p1 $0x2  }
0x11: {  	s12 =	smov.u32 s10;
	_ =	swait.ge @!p1 [sflag:s14], $0x4000  }
0x12: {  	p0 =	por !p0, !p0;
	s11 =	smov.u32 s9;
	[sflag:s14] =	ssyncset.done @!p1 $0x0  }
0x13: {  	s9 =	smov.u32 s13;
	[sflag:s14] =	ssyncadd.s32 @!p1 $0xFFFFC000;
	s10 =	smov.u32 s15  }
.LBB1_1:
0x14: {  	p1 =	sgt.u32 s8, $0x1F  }
0x15: {  	s13 =	sxor.u32 @!p1 $0xFFFFFFFF, s8;
	s14 =	sshll.u32 @!p1 s10, $0xE  }
0x16: {  	s15 =	sshll.u32 @!p1 s9, $0x7;
	s13 =	sshll.u32 @!p1 s13, $0xE;
	s14 =	sadd.s32 @!p1 s3, s14  }
0x17: {  	s13 =	sand.u32 @!p1 $0x4000, s13;
	s14 =	sadd.s32 @!p1 s15, s14;
	s15 =	simm.s32 @!p1 $0x0  }
0x18: {  	[tilespmem:s13], [sflag:$0x1] =	stream.linear.gather @!p1 [hbm4b:s14+s15], $0x4000, $0x38;
	[tilespmem:$0x10000] =	vst v63  }
0x19: {  	p1 =	seq.s32 s8, $0x0  }
0x1a: {  	p2 =	seq.s32 @!p1 s8, $0x21  }
0x1b: {  	p1 =	por p1, p2  }
.Ltmp2:
0x1c: {  	_ = 	snop;
	(pc) =	sbr.rel @p1 .LBB1_7-.Ltmp2, $1  }
0x1d: {  	_ =	sdelay $0x3  }
0x1e: {  	s13 =	simm.s32 $0x1;
	_ =	swait.ge [sflag:s4], $0x4000;
	s16 =	sshll.u32 s8, $0xE  }
0x1f: {  	s13 =	simm.s32 @!p0 $0x0;
	[sflag:s4] =	ssyncset.done $0x0;
	s31 =	sand.u32 $0x4000, s16  }
0x20: {  	s16 =	simm.s32 $0x0;
	s14 =	sshll.u32 s13, $0xE;
	[sflag:s4] =	ssyncadd.s32 $0xFFFFC000  }
0x21: {  	s13 =	sor.u32 $0x8040, s14;
	s15 =	sor.u32 $0x40, s14;
	s14 =	sor.u32 $0x8000, s31  }
.LBB1_3:
0x22: {  	v0 =	vmov s15;
	_ =	sdelay $0x3  }
0x23: {  	s18 =	simm.s32 $0x0  }
0x24: {  	v6 =	vld.idx.msk [tilespmem:v0+s18+$0x30 ss:$0x1], $0xffff  }
0x25: {  	v7 =	vld.idx.msk [tilespmem:v0+s18+$0xFFFFFFC0 ss:$0x1], $0xffff  }
0x26: {  	v5 =	vld.idx.msk [tilespmem:v0+s18+$0xFFFFFFD0 ss:$0x1], $0xffff  }
0x27: {  	v4 =	vld.idx.msk [tilespmem:v0+s18+$0xFFFFFFE0 ss:$0x1], $0xffff  }
0x28: {  	v3 =	vld.idx.msk [tilespmem:v0+s18+$0xFFFFFFF0 ss:$0x1], $0xffff  }
0x29: {  	v1 =	vld.idx.msk [tilespmem:v0+s18+$0x0 ss:$0x1], $0xffff  }
0x2a: {  	v2 =	vld.idx.msk [tilespmem:v0+s18+$0x10 ss:$0x1], $0xffff;
	[tilespmem:s13+$0x30] =	vst v6  }
0x2b: {  	s17 =	simm.s32 $0x80;
	s19 =	simm.s32 $0x400;
	[tilespmem:s13+$0xFFFFFFC0] =	vst v7;
	v6 =	vld.idx.msk [tilespmem:v0+s18+$0x20 ss:$0x1], $0xffff;
	s18 =	smov.u32 s13  }
.LBB1_4:
0x2c: {  	p1 =	sne.s32 s19, $0xE00;
	v7 =	vld.idx.msk [tilespmem:v0+s17+$0x30 ss:$0x1], $0xffff;
	[tilespmem:s18+$0xFFFFFFD0] =	vst v5  }
0x2d: {  	v8 =	vld.idx.msk [tilespmem:v0+s17+$0xFFFFFFC0 ss:$0x1], $0xffff;
	[tilespmem:s18+$0xFFFFFFE0] =	vst v4  }
0x2e: {  	v5 =	vld.idx.msk [tilespmem:v0+s17+$0xFFFFFFD0 ss:$0x1], $0xffff;
	[tilespmem:s18+$0xFFFFFFF0] =	vst v3  }
.Ltmp3:
0x2f: {  	v4 =	vld.idx.msk [tilespmem:v0+s17+$0xFFFFFFE0 ss:$0x1], $0xffff;
	[tilespmem:s18+$0x0] =	vst v1;
	(pc) =	sbr.rel @p1 .LBB1_4-.Ltmp3, $4  }
0x30: {  	v3 =	vld.idx.msk [tilespmem:v0+s17+$0xFFFFFFF0 ss:$0x1], $0xffff;
	[tilespmem:s18+$0x10] =	vst v2  }
0x31: {  	v1 =	vld.idx.msk [tilespmem:v0+s17+$0x0 ss:$0x1], $0xffff;
	[tilespmem:s18+$0x20] =	vst v6;
	s18 =	sadd.s32 $0x800, s18  }
0x32: {  	v2 =	vld.idx.msk [tilespmem:v0+s17+$0x10 ss:$0x1], $0xffff;
	[tilespmem:s18+$0x30] =	vst v7  }
0x33: {  	[tilespmem:s18+$0xFFFFFFC0] =	vst v8;
	v6 =	vld.idx.msk [tilespmem:v0+s17+$0x20 ss:$0x1], $0xffff;
	s17 =	sshra.s32 s19, $0x2;
	s19 =	sadd.s32 $0x200, s19  }
0x34: {  	_ =	sdelay $0x2  }
0x35: {  	[tilespmem:s18+$0xFFFFFFD0] =	vst v5  }
0x36: {  	v56 =	vld.idx.msk [tilespmem:v0+s17+$0x30 ss:$0x1], $0xffff;
	[tilespmem:s18+$0xFFFFFFE0] =	vst v4  }
0x37: {  	v57 =	vld.idx.msk [tilespmem:v0+s17+$0xFFFFFFC0 ss:$0x1], $0xffff;
	[tilespmem:s18+$0xFFFFFFF0] =	vst v3  }
0x38: {  	v58 =	vld.idx.msk [tilespmem:v0+s17+$0xFFFFFFD0 ss:$0x1], $0xffff;
	[tilespmem:s18+$0x0] =	vst v1  }
0x39: {  	v59 =	vld.idx.msk [tilespmem:v0+s17+$0xFFFFFFE0 ss:$0x1], $0xffff;
	[tilespmem:s18+$0x10] =	vst v2  }
0x3a: {  	v60 =	vld.idx.msk [tilespmem:v0+s17+$0xFFFFFFF0 ss:$0x1], $0xffff;
	s31 =	sadd.s32 $0x800, s18;
	[tilespmem:s18+$0x20] =	vst v6  }
0x3b: {  	v61 =	vld.idx.msk [tilespmem:v0+s17+$0x0 ss:$0x1], $0xffff;
	[tilespmem:s31+$0x30] =	vst v56  }
0x3c: {  	v62 =	vld.idx.msk [tilespmem:v0+s17+$0x10 ss:$0x1], $0xffff;
	s16 =	sadd.s32 $0x1, s16;
	[tilespmem:s31+$0xFFFFFFC0] =	vst v57  }
0x3d: {  	v63 =	vld.idx.msk [tilespmem:v0+s17+$0x20 ss:$0x1], $0xffff;
	p1 =	sne.s32 s16, $0x10;
	[tilespmem:s31+$0xFFFFFFD0] =	vst v58  }
.Ltmp4:
0x3e: {  	[tilespmem:s31+$0xFFFFFFE0] =	vst v59;
	(pc) =	sbr.rel @p1 .LBB1_3-.Ltmp4, $4  }
0x3f: {  	[tilespmem:s31+$0xFFFFFFF0] =	vst v60  }
0x40: {  	[tilespmem:s31+$0x0] =	vst v61  }
0x41: {  	[tilespmem:s31+$0x10] =	vst v62  }
0x42: {  	s13 =	sadd.s32 $0x80, s13;
	s15 =	sadd.s32 $0x400, s15;
	[tilespmem:s31+$0x20] =	vst v63  }
.Ltmp5:
0x43: {  	(pc) =	sbr.rel .LBB1_7-.Ltmp5, $4  }
0x44: {  	s12 =	sshll.u32 s12, $0xE;
	s11 =	sshll.u32 s11, $0x4  }
0x45: {  	s11 =	sand.u32 $0x7F0, s11;
	s12 =	sadd.s32 s2, s12  }
0x46: {  	s11 =	sadd.s32 s11, s12  }
0x47: {  	[hbm4b:s11+s6] =	stream.strided.scatter [tilespmem:s14], [sflag:$0x2], $0x4000, s7, s6, $0x38;
	[tilespmem:$0x10000] =	vst v63  }
.LBB1_8:
0x48: {  	_ =	sfence.sel $0x180000  }
0x49: {  	s2 =	simm.s32 $0x1;
	[bflag:$0x0] =	sbarrier.arrive $0xFFFF  }
0x4a: {  	s31 =	simm.s32 $0x2;
	[sflag:s2] =	ssyncpa.u1 $0x1  }
0x4b: {  	[sflag:s31] =	ssyncpa.u1 $0x1  }
0x4c: {  	p0 =	sne.s32 s1, $0x0;
	_ =	strace $0x9000004A  }
0x4d: {  	s0 =	sadd.s32 @!p0 $0x100000, s0;
	[bflag:$0x2] =	sbarrier.arrive $0xFFFF  }
0x4e: {  	[sflag:s0] =	ssyncadd.tile.s32 @!p0 $0x1;
	_ =	shalt  }
.Lfunc_end1:
_tile_overlayer_lowered:
.L_overlay_start_2:
0x4f: {  	(tag) =	ssettag $0x2  }
0x50: {  	s0 =	rddreg [dreg:$0x0];
	s2 =	stileid.u32  }
0x51: {  	s1 =	rddreg [dreg:$0x1];
	p0 =	sne.s32 s2, $0x0  }
0x52: {  	s3 =	rddreg [dreg:$0x2];
	[bflag:$0x3] =	sbarrier.arrive $0xFFFF;
	s2 =	simm.s32 @!p0 $0x1C01  }
0x53: {  	[timem:s3], [sflag:s2] =	dma.local @!p0 [hbm:s0], s1  }
0x54: {  	s0 =	simm.s32 @!p0 $0x1  }
0x55: {  	_ =	swait.ge @!p0 [sflag:s0], s1  }
0x56: {  	s1 =	ssub.s32 @!p0 $0x0, s1;
	[sflag:s0] =	ssyncset.done @!p0 $0x0  }
0x57: {  	[sflag:s0] =	ssyncadd.s32 @!p0 s1  }
0x58: {  	[bflag:$0x3] =	sbarrier.arrive $0xFFFF  }
0x59: {  	_ =	shalt  }

</sc_bundles>
